<compile_context>
chip_gen: v7x
topology: tpu7x:2x2x1
jax: 0.10.2.dev20260603
libtpu: 0.0.44.dev20260713+nightly
codegen_flags: <defaults>
</compile_context>

<pallas_src>
import functools

import jax
import jax.numpy as jnp
from jax import lax
from jax.experimental import pallas as pl
from jax.experimental.pallas import tpu as pltpu
from jax.experimental.pallas import tpu_sc as plsc


def kernel(x, continuous_x_res, tables):
    B, C = x.shape
    _, NCONT, D = continuous_x_res.shape
    V = tables.shape[1]
    OUT_C = C + NCONT
    R = C * D

    tabT = tables.transpose(0, 2, 1).reshape(R, V)
    xT = x.T
    contT = continuous_x_res.transpose(1, 2, 0).reshape(NCONT * D, B)

    NC, NS = 2, 16
    NW = NC * NS
    rpw = R // NW
    crw = (NCONT * D) // NW

    mesh = plsc.VectorSubcoreMesh(core_axis_name="c", subcore_axis_name="s")

    @functools.partial(
        pl.kernel,
        mesh=mesh,
        out_type=jax.ShapeDtypeStruct((OUT_C * D, B), jnp.float32),
        compiler_params=pltpu.CompilerParams(use_tc_tiling_on_sc=False,
                                             needs_layout_passes=False),
        scratch_types=[
            pltpu.VMEM((V,), jnp.float32),
            pltpu.VMEM((B,), jnp.int32),
            pltpu.VMEM((B,), jnp.float32),
            pltpu.SemaphoreType.DMA,
            pltpu.SemaphoreType.DMA,
        ],
    )
    def k(tab_hbm, idx_hbm, cont_hbm, out_hbm, row_v, idx_v, out_v,
          sem_r, sem_c):
        wid = lax.axis_index("s") * NC + lax.axis_index("c")

        cont_cp = pltpu.async_copy(
            cont_hbm.at[pl.ds(wid * crw, crw)],
            out_hbm.at[pl.ds(R + wid * crw, crw)],
            sem_c,
        )

        @pl.loop(0, rpw)
        def _(i):
            r = wid * rpw + i
            c = r // D
            pltpu.sync_copy(idx_hbm.at[c], idx_v)
            pltpu.sync_copy(tab_hbm.at[r], row_v)

            @pl.loop(0, B, step=128)
            def _(b0):
                for u in range(8):
                    idx16 = idx_v[pl.ds(b0 + u * 16, 16)]
                    out_v[pl.ds(b0 + u * 16, 16)] = plsc.load_gather(
                        row_v, [idx16])

            pltpu.sync_copy(out_v, out_hbm.at[r])

        cont_cp.wait()

    out2 = k(tabT, xT, contT)
    return out2.reshape(OUT_C, D, B).transpose(2, 0, 1)

# --- scband reference (transcript-rebuilt; emitter-appended) ---
"""Pipeline reference for scband-cat-encoder-15908558864529 (READ-ONLY COPY).

The authoritative reference and input builder live on the scoring server;
editing this copy changes nothing except your own understanding.
"""

import jax, jax.numpy as jnp
import numpy as np

N_COLS = 26
VOCAB = 100000
EMBED_DIM = 64
BATCH = 4096
N_CONT = 13


def setup_inputs(seed: int = 0) -> dict:
    key = jax.random.key(seed)
    k1, k2, k3 = jax.random.split(key, 3)
    # categorical indices: one column per vocabulary entry
    x = jax.random.randint(k1, (BATCH, N_COLS), 0, VOCAB, dtype=jnp.int32)
    # continuous-feature residual already projected to embedding_dim
    continuous_x_res = jax.random.normal(k2, (BATCH, N_CONT, EMBED_DIM), dtype=jnp.float32)
    # one embedding table per categorical column (ColumnEmbedding), stacked
    tables = jax.random.normal(k3, (N_COLS, VOCAB, EMBED_DIM), dtype=jnp.float32) * 0.02
    return {"x": x, "continuous_x_res": continuous_x_res, "tables": tables}


def reference(x, continuous_x_res, tables):
    # For each column i: emb_i = tables[i][x[:, i]]  -> stack over dim=1
    col_idx = jnp.arange(tables.shape[0])[None, :]          # (1, C)
    emb = tables[col_idx, x]                                 # (B, C, D) gather
    # torch.cat((stacked_cat_embeddings, continuous_x_res), dim=1)
    out = jnp.concatenate((emb, continuous_x_res), axis=1)   # (B, C + N_CONT, D)
    return out

if __name__ == "__main__":
    import jax
    _d = setup_inputs()
    print(jax.jit(kernel)(*tuple(_d.values())))

</pallas_src>

<mosaic_0001>
#map = affine_map<(d0, d1) -> (0, 0)>
module attributes {stable_mosaic.version = 14 : i64} {
  func.func @k(%arg0: i32, %arg1: i32, %arg2: memref<1664x100000xf32, #tpu.memory_space<hbm>>, %arg3: memref<26x4096xi32, #tpu.memory_space<hbm>>, %arg4: memref<832x4096xf32, #tpu.memory_space<hbm>>, %arg5: memref<2496x4096xf32, #tpu.memory_space<hbm>>, %arg6: memref<100000xf32, #tpu.memory_space<vmem>>, %arg7: memref<4096xi32, #tpu.memory_space<vmem>>, %arg8: memref<4096xf32, #tpu.memory_space<vmem>>, %arg9: memref<!tpu.dma_semaphore, #tpu.memory_space<semaphore_mem>>, %arg10: memref<!tpu.dma_semaphore, #tpu.memory_space<semaphore_mem>>) attributes {dimension_semantics = [#tpu.dimension_semantics<core_parallel>, #tpu.dimension_semantics<subcore_parallel>], iteration_bounds = array<i64: 2, 16>, scalar_prefetch = 0 : i64, scratch_operands = 5 : i64, tpu.core_type = #tpu.core_type<sc_vector_subcore>, window_params = [{transform_indices = #map}, {transform_indices = #map}, {transform_indices = #map}, {transform_indices = #map}]} {
    %mul3A = arith.constant 2 : i32
    %mul3A_0 = arith.muli %arg1, %mul3A : i32
    %add3A = arith.addi %mul3A_0, %arg0 : i32
    %mul3A_1 = arith.constant 26 : i32
    %mul3A_2 = arith.muli %add3A, %mul3A_1 : i32
    %mul3A_3 = arith.constant 26 : i32
    %mul3A_4 = arith.muli %add3A, %mul3A_3 : i32
    %add3A_5 = arith.constant 1664 : i32
    %add3A_6 = arith.addi %add3A_5, %mul3A_4 : i32
    %dma_start3A = arith.constant 0 : i32
    %dma_start3A_7 = tpu.memref_slice %arg5[%add3A_6, %dma_start3A] : memref<2496x4096xf32, #tpu.memory_space<hbm>> -> memref<26x4096xf32, #tpu.memory_space<hbm>>
    %dma_start3A_8 = arith.constant 0 : i32
    %dma_start3A_9 = tpu.memref_slice %arg4[%mul3A_2, %dma_start3A_8] : memref<832x4096xf32, #tpu.memory_space<hbm>> -> memref<26x4096xf32, #tpu.memory_space<hbm>>
    tpu.enqueue_dma source(%dma_start3A_9 : memref<26x4096xf32, #tpu.memory_space<hbm>>) target(%dma_start3A_7 : memref<26x4096xf32, #tpu.memory_space<hbm>>) target_semaphore(%arg10 : memref<!tpu.dma_semaphore, #tpu.memory_space<semaphore_mem>>)
    %scan3A = arith.constant 0 : i32
    %scan3A_10 = arith.constant 52 : i32
    %scan3A_11 = arith.addi %scan3A, %scan3A_10 : i32
    %scan3A_12 = arith.constant 1 : i32
    scf.for %scan3A_17 = %scan3A to %scan3A_11 step %scan3A_12  : i32 {
      %mul3A_18 = arith.constant 1 : i32
      %mul3A_19 = arith.muli %scan3A_17, %mul3A_18 : i32
      %add3A_20 = arith.constant 0 : i32
      %add3A_21 = arith.addi %add3A_20, %mul3A_19 : i32
      %mul3A_22 = arith.constant 52 : i32
      %mul3A_23 = arith.muli %add3A, %mul3A_22 : i32
      %add3A_24 = arith.addi %mul3A_23, %add3A_21 : i32
      %jit3A = arith.constant 64 : i32
      %div3A = arith.divsi %add3A_24, %jit3A : i32
      %sign3A = arith.constant 0 : i32
      %sign3A_25 = arith.cmpi sgt, %add3A_24, %sign3A : i32
      %sign3A_26 = arith.extui %sign3A_25 : i1 to i32
      %sign3A_27 = arith.constant 0 : i32
      %sign3A_28 = arith.cmpi slt, %add3A_24, %sign3A_27 : i32
      %sign3A_29 = arith.extui %sign3A_28 : i1 to i32
      %sign3A_30 = arith.subi %sign3A_26, %sign3A_29 : i32
      %sign3A_31 = arith.constant 0 : i32
      %sign3A_32 = arith.cmpi sgt, %jit3A, %sign3A_31 : i32
      %sign3A_33 = arith.extui %sign3A_32 : i1 to i32
      %sign3A_34 = arith.constant 0 : i32
      %sign3A_35 = arith.cmpi slt, %jit3A, %sign3A_34 : i32
      %sign3A_36 = arith.extui %sign3A_35 : i1 to i32
      %sign3A_37 = arith.subi %sign3A_33, %sign3A_36 : i32
      %ne3A = arith.cmpi ne, %sign3A_30, %sign3A_37 : i32
      %rem3A = arith.remsi %add3A_24, %jit3A : i32
      %ne3A_38 = arith.constant 0 : i32
      %ne3A_39 = arith.cmpi ne, %rem3A, %ne3A_38 : i32
      %and3A = arith.andi %ne3A, %ne3A_39 : i1
      %sub3A = arith.constant 1 : i32
      %sub3A_40 = arith.subi %div3A, %sub3A : i32
      %select_n3A = arith.select %and3A, %sub3A_40, %div3A : i32
      "tpu.region"() ({
        %run_scoped3A = tpu.sem_alloc : memref<!tpu.dma_semaphore, #tpu.memory_space<semaphore_mem>>
        %dma_start3A_46 = arith.constant 0 : i32
        %dma_start3A_47 = tpu.memref_slice %arg3[%select_n3A, %dma_start3A_46] : memref<26x4096xi32, #tpu.memory_space<hbm>> -> memref<1x4096xi32, #tpu.memory_space<hbm>>
        %dma_start3A_48 = tpu.memref_squeeze %dma_start3A_47 : memref<1x4096xi32, #tpu.memory_space<hbm>> -> memref<4096xi32, #tpu.memory_space<hbm>>
        %dma_start3A_49 = arith.constant 0 : i32
        %dma_start3A_50 = tpu.memref_slice %arg3[%select_n3A, %dma_start3A_49] : memref<26x4096xi32, #tpu.memory_space<hbm>> -> memref<1x4096xi32, #tpu.memory_space<hbm>>
        %dma_start3A_51 = tpu.memref_squeeze %dma_start3A_50 : memref<1x4096xi32, #tpu.memory_space<hbm>> -> memref<4096xi32, #tpu.memory_space<hbm>>
        tpu.enqueue_dma source(%dma_start3A_51 : memref<4096xi32, #tpu.memory_space<hbm>>) target(%arg7 : memref<4096xi32, #tpu.memory_space<vmem>>) target_semaphore(%run_scoped3A : memref<!tpu.dma_semaphore, #tpu.memory_space<semaphore_mem>>)
        %dma_wait3A_52 = arith.constant 0 : i32
        %dma_wait3A_53 = tpu.memref_slice %arg3[%select_n3A, %dma_wait3A_52] : memref<26x4096xi32, #tpu.memory_space<hbm>> -> memref<1x4096xi32, #tpu.memory_space<hbm>>
        %dma_wait3A_54 = tpu.memref_squeeze %dma_wait3A_53 : memref<1x4096xi32, #tpu.memory_space<hbm>> -> memref<4096xi32, #tpu.memory_space<hbm>>
        %dma_wait3A_55 = arith.constant 0 : i32
        %dma_wait3A_56 = tpu.memref_slice %arg3[%select_n3A, %dma_wait3A_55] : memref<26x4096xi32, #tpu.memory_space<hbm>> -> memref<1x4096xi32, #tpu.memory_space<hbm>>
        %dma_wait3A_57 = tpu.memref_squeeze %dma_wait3A_56 : memref<1x4096xi32, #tpu.memory_space<hbm>> -> memref<4096xi32, #tpu.memory_space<hbm>>
        tpu.wait_dma2 semaphore(%run_scoped3A : memref<!tpu.dma_semaphore, #tpu.memory_space<semaphore_mem>>) src(%dma_wait3A_57 : memref<4096xi32, #tpu.memory_space<hbm>>) dst(%arg7 : memref<4096xi32, #tpu.memory_space<vmem>>)
        tpu.yield
      }) : () -> ()
      "tpu.region"() ({
        %run_scoped3A = tpu.sem_alloc : memref<!tpu.dma_semaphore, #tpu.memory_space<semaphore_mem>>
        %dma_start3A_46 = arith.constant 0 : i32
        %dma_start3A_47 = tpu.memref_slice %arg2[%add3A_24, %dma_start3A_46] : memref<1664x100000xf32, #tpu.memory_space<hbm>> -> memref<1x100000xf32, #tpu.memory_space<hbm>>
        %dma_start3A_48 = tpu.memref_squeeze %dma_start3A_47 : memref<1x100000xf32, #tpu.memory_space<hbm>> -> memref<100000xf32, #tpu.memory_space<hbm>>
        %dma_start3A_49 = arith.constant 0 : i32
        %dma_start3A_50 = tpu.memref_slice %arg2[%add3A_24, %dma_start3A_49] : memref<1664x100000xf32, #tpu.memory_space<hbm>> -> memref<1x100000xf32, #tpu.memory_space<hbm>>
        %dma_start3A_51 = tpu.memref_squeeze %dma_start3A_50 : memref<1x100000xf32, #tpu.memory_space<hbm>> -> memref<100000xf32, #tpu.memory_space<hbm>>
        tpu.enqueue_dma source(%dma_start3A_51 : memref<100000xf32, #tpu.memory_space<hbm>>) target(%arg6 : memref<100000xf32, #tpu.memory_space<vmem>>) target_semaphore(%run_scoped3A : memref<!tpu.dma_semaphore, #tpu.memory_space<semaphore_mem>>)
        %dma_wait3A_52 = arith.constant 0 : i32
        %dma_wait3A_53 = tpu.memref_slice %arg2[%add3A_24, %dma_wait3A_52] : memref<1664x100000xf32, #tpu.memory_space<hbm>> -> memref<1x100000xf32, #tpu.memory_space<hbm>>
        %dma_wait3A_54 = tpu.memref_squeeze %dma_wait3A_53 : memref<1x100000xf32, #tpu.memory_space<hbm>> -> memref<100000xf32, #tpu.memory_space<hbm>>
        %dma_wait3A_55 = arith.constant 0 : i32
        %dma_wait3A_56 = tpu.memref_slice %arg2[%add3A_24, %dma_wait3A_55] : memref<1664x100000xf32, #tpu.memory_space<hbm>> -> memref<1x100000xf32, #tpu.memory_space<hbm>>
        %dma_wait3A_57 = tpu.memref_squeeze %dma_wait3A_56 : memref<1x100000xf32, #tpu.memory_space<hbm>> -> memref<100000xf32, #tpu.memory_space<hbm>>
        tpu.wait_dma2 semaphore(%run_scoped3A : memref<!tpu.dma_semaphore, #tpu.memory_space<semaphore_mem>>) src(%dma_wait3A_57 : memref<100000xf32, #tpu.memory_space<hbm>>) dst(%arg6 : memref<100000xf32, #tpu.memory_space<vmem>>)
        tpu.yield
      }) : () -> ()
      %scan3A_41 = arith.constant 0 : i32
      %scan3A_42 = arith.constant 32 : i32
      %scan3A_43 = arith.addi %scan3A_41, %scan3A_42 : i32
      %scan3A_44 = arith.constant 1 : i32
      scf.for %scan3A_46 = %scan3A_41 to %scan3A_43 step %scan3A_44  : i32 {
        %mul3A_47 = arith.constant 128 : i32
        %mul3A_48 = arith.muli %scan3A_46, %mul3A_47 : i32
        %add3A_49 = arith.constant 0 : i32
        %add3A_50 = arith.addi %add3A_49, %mul3A_48 : i32
        %add3A_51 = arith.constant 0 : i32
        %add3A_52 = arith.addi %add3A_50, %add3A_51 : i32
        %get3A = arith.index_cast %add3A_52 : i32 to index
        %get3A_53 = tpu.vector_load %arg7[%get3A] {strides = array<i32>} : memref<4096xi32, #tpu.memory_space<vmem>>, vector<16xi32>,
        %gather3A = tpu.vector_load_idx %arg6[%get3A_53] : memref<100000xf32, #tpu.memory_space<vmem>>[vector<16xi32>], vector<16xf32>,
        %add3A_54 = arith.constant 0 : i32
        %add3A_55 = arith.addi %add3A_50, %add3A_54 : i32
        %swap3A = arith.index_cast %add3A_55 : i32 to index
        %swap3A_56 = tpu.vector_load %arg8[%swap3A] {strides = array<i32>} : memref<4096xf32, #tpu.memory_space<vmem>>, vector<16xf32>,
        tpu.vector_store %arg8[%swap3A], %gather3A {strides = array<i32>} : memref<4096xf32, #tpu.memory_space<vmem>>, vector<16xf32>,
        %add3A_57 = arith.constant 16 : i32
        %add3A_58 = arith.addi %add3A_50, %add3A_57 : i32
        %get3A_59 = arith.index_cast %add3A_58 : i32 to index
        %get3A_60 = tpu.vector_load %arg7[%get3A_59] {strides = array<i32>} : memref<4096xi32, #tpu.memory_space<vmem>>, vector<16xi32>,
        %gather3A_61 = tpu.vector_load_idx %arg6[%get3A_60] : memref<100000xf32, #tpu.memory_space<vmem>>[vector<16xi32>], vector<16xf32>,
        %add3A_62 = arith.constant 16 : i32
        %add3A_63 = arith.addi %add3A_50, %add3A_62 : i32
        %swap3A_64 = arith.index_cast %add3A_63 : i32 to index
        %swap3A_65 = tpu.vector_load %arg8[%swap3A_64] {strides = array<i32>} : memref<4096xf32, #tpu.memory_space<vmem>>, vector<16xf32>,
        tpu.vector_store %arg8[%swap3A_64], %gather3A_61 {strides = array<i32>} : memref<4096xf32, #tpu.memory_space<vmem>>, vector<16xf32>,
        %add3A_66 = arith.constant 32 : i32
        %add3A_67 = arith.addi %add3A_50, %add3A_66 : i32
        %get3A_68 = arith.index_cast %add3A_67 : i32 to index
        %get3A_69 = tpu.vector_load %arg7[%get3A_68] {strides = array<i32>} : memref<4096xi32, #tpu.memory_space<vmem>>, vector<16xi32>,
        %gather3A_70 = tpu.vector_load_idx %arg6[%get3A_69] : memref<100000xf32, #tpu.memory_space<vmem>>[vector<16xi32>], vector<16xf32>,
        %add3A_71 = arith.constant 32 : i32
        %add3A_72 = arith.addi %add3A_50, %add3A_71 : i32
        %swap3A_73 = arith.index_cast %add3A_72 : i32 to index
        %swap3A_74 = tpu.vector_load %arg8[%swap3A_73] {strides = array<i32>} : memref<4096xf32, #tpu.memory_space<vmem>>, vector<16xf32>,
        tpu.vector_store %arg8[%swap3A_73], %gather3A_70 {strides = array<i32>} : memref<4096xf32, #tpu.memory_space<vmem>>, vector<16xf32>,
        %add3A_75 = arith.constant 48 : i32
        %add3A_76 = arith.addi %add3A_50, %add3A_75 : i32
        %get3A_77 = arith.index_cast %add3A_76 : i32 to index
        %get3A_78 = tpu.vector_load %arg7[%get3A_77] {strides = array<i32>} : memref<4096xi32, #tpu.memory_space<vmem>>, vector<16xi32>,
        %gather3A_79 = tpu.vector_load_idx %arg6[%get3A_78] : memref<100000xf32, #tpu.memory_space<vmem>>[vector<16xi32>], vector<16xf32>,
        %add3A_80 = arith.constant 48 : i32
        %add3A_81 = arith.addi %add3A_50, %add3A_80 : i32
        %swap3A_82 = arith.index_cast %add3A_81 : i32 to index
        %swap3A_83 = tpu.vector_load %arg8[%swap3A_82] {strides = array<i32>} : memref<4096xf32, #tpu.memory_space<vmem>>, vector<16xf32>,
        tpu.vector_store %arg8[%swap3A_82], %gather3A_79 {strides = array<i32>} : memref<4096xf32, #tpu.memory_space<vmem>>, vector<16xf32>,
        %add3A_84 = arith.constant 64 : i32
        %add3A_85 = arith.addi %add3A_50, %add3A_84 : i32
        %get3A_86 = arith.index_cast %add3A_85 : i32 to index
        %get3A_87 = tpu.vector_load %arg7[%get3A_86] {strides = array<i32>} : memref<4096xi32, #tpu.memory_space<vmem>>, vector<16xi32>,
        %gather3A_88 = tpu.vector_load_idx %arg6[%get3A_87] : memref<100000xf32, #tpu.memory_space<vmem>>[vector<16xi32>], vector<16xf32>,
        %add3A_89 = arith.constant 64 : i32
        %add3A_90 = arith.addi %add3A_50, %add3A_89 : i32
        %swap3A_91 = arith.index_cast %add3A_90 : i32 to index
        %swap3A_92 = tpu.vector_load %arg8[%swap3A_91] {strides = array<i32>} : memref<4096xf32, #tpu.memory_space<vmem>>, vector<16xf32>,
        tpu.vector_store %arg8[%swap3A_91], %gather3A_88 {strides = array<i32>} : memref<4096xf32, #tpu.memory_space<vmem>>, vector<16xf32>,
        %add3A_93 = arith.constant 80 : i32
        %add3A_94 = arith.addi %add3A_50, %add3A_93 : i32
        %get3A_95 = arith.index_cast %add3A_94 : i32 to index
        %get3A_96 = tpu.vector_load %arg7[%get3A_95] {strides = array<i32>} : memref<4096xi32, #tpu.memory_space<vmem>>, vector<16xi32>,
        %gather3A_97 = tpu.vector_load_idx %arg6[%get3A_96] : memref<100000xf32, #tpu.memory_space<vmem>>[vector<16xi32>], vector<16xf32>,
        %add3A_98 = arith.constant 80 : i32
        %add3A_99 = arith.addi %add3A_50, %add3A_98 : i32
        %swap3A_100 = arith.index_cast %add3A_99 : i32 to index
        %swap3A_101 = tpu.vector_load %arg8[%swap3A_100] {strides = array<i32>} : memref<4096xf32, #tpu.memory_space<vmem>>, vector<16xf32>,
        tpu.vector_store %arg8[%swap3A_100], %gather3A_97 {strides = array<i32>} : memref<4096xf32, #tpu.memory_space<vmem>>, vector<16xf32>,
        %add3A_102 = arith.constant 96 : i32
        %add3A_103 = arith.addi %add3A_50, %add3A_102 : i32
        %get3A_104 = arith.index_cast %add3A_103 : i32 to index
        %get3A_105 = tpu.vector_load %arg7[%get3A_104] {strides = array<i32>} : memref<4096xi32, #tpu.memory_space<vmem>>, vector<16xi32>,
        %gather3A_106 = tpu.vector_load_idx %arg6[%get3A_105] : memref<100000xf32, #tpu.memory_space<vmem>>[vector<16xi32>], vector<16xf32>,
        %add3A_107 = arith.constant 96 : i32
        %add3A_108 = arith.addi %add3A_50, %add3A_107 : i32
        %swap3A_109 = arith.index_cast %add3A_108 : i32 to index
        %swap3A_110 = tpu.vector_load %arg8[%swap3A_109] {strides = array<i32>} : memref<4096xf32, #tpu.memory_space<vmem>>, vector<16xf32>,
        tpu.vector_store %arg8[%swap3A_109], %gather3A_106 {strides = array<i32>} : memref<4096xf32, #tpu.memory_space<vmem>>, vector<16xf32>,
        %add3A_111 = arith.constant 112 : i32
        %add3A_112 = arith.addi %add3A_50, %add3A_111 : i32
        %get3A_113 = arith.index_cast %add3A_112 : i32 to index
        %get3A_114 = tpu.vector_load %arg7[%get3A_113] {strides = array<i32>} : memref<4096xi32, #tpu.memory_space<vmem>>, vector<16xi32>,
        %gather3A_115 = tpu.vector_load_idx %arg6[%get3A_114] : memref<100000xf32, #tpu.memory_space<vmem>>[vector<16xi32>], vector<16xf32>,
        %add3A_116 = arith.constant 112 : i32
        %add3A_117 = arith.addi %add3A_50, %add3A_116 : i32
        %swap3A_118 = arith.index_cast %add3A_117 : i32 to index
        %swap3A_119 = tpu.vector_load %arg8[%swap3A_118] {strides = array<i32>} : memref<4096xf32, #tpu.memory_space<vmem>>, vector<16xf32>,
        tpu.vector_store %arg8[%swap3A_118], %gather3A_115 {strides = array<i32>} : memref<4096xf32, #tpu.memory_space<vmem>>, vector<16xf32>,
      }
      %scan3A_45 = arith.constant 32 : i32
      "tpu.region"() ({
        %run_scoped3A = tpu.sem_alloc : memref<!tpu.dma_semaphore, #tpu.memory_space<semaphore_mem>>
        %dma_start3A_46 = arith.constant 0 : i32
        %dma_start3A_47 = tpu.memref_slice %arg5[%add3A_24, %dma_start3A_46] : memref<2496x4096xf32, #tpu.memory_space<hbm>> -> memref<1x4096xf32, #tpu.memory_space<hbm>>
        %dma_start3A_48 = tpu.memref_squeeze %dma_start3A_47 : memref<1x4096xf32, #tpu.memory_space<hbm>> -> memref<4096xf32, #tpu.memory_space<hbm>>
        %dma_start3A_49 = arith.constant 0 : i32
        %dma_start3A_50 = tpu.memref_slice %arg5[%add3A_24, %dma_start3A_49] : memref<2496x4096xf32, #tpu.memory_space<hbm>> -> memref<1x4096xf32, #tpu.memory_space<hbm>>
        %dma_start3A_51 = tpu.memref_squeeze %dma_start3A_50 : memref<1x4096xf32, #tpu.memory_space<hbm>> -> memref<4096xf32, #tpu.memory_space<hbm>>
        tpu.enqueue_dma source(%arg8 : memref<4096xf32, #tpu.memory_space<vmem>>) target(%dma_start3A_51 : memref<4096xf32, #tpu.memory_space<hbm>>) target_semaphore(%run_scoped3A : memref<!tpu.dma_semaphore, #tpu.memory_space<semaphore_mem>>)
        %dma_wait3A_52 = arith.constant 0 : i32
        %dma_wait3A_53 = tpu.memref_slice %arg5[%add3A_24, %dma_wait3A_52] : memref<2496x4096xf32, #tpu.memory_space<hbm>> -> memref<1x4096xf32, #tpu.memory_space<hbm>>
        %dma_wait3A_54 = tpu.memref_squeeze %dma_wait3A_53 : memref<1x4096xf32, #tpu.memory_space<hbm>> -> memref<4096xf32, #tpu.memory_space<hbm>>
        %dma_wait3A_55 = arith.constant 0 : i32
        %dma_wait3A_56 = tpu.memref_slice %arg5[%add3A_24, %dma_wait3A_55] : memref<2496x4096xf32, #tpu.memory_space<hbm>> -> memref<1x4096xf32, #tpu.memory_space<hbm>>
        %dma_wait3A_57 = tpu.memref_squeeze %dma_wait3A_56 : memref<1x4096xf32, #tpu.memory_space<hbm>> -> memref<4096xf32, #tpu.memory_space<hbm>>
        tpu.wait_dma2 semaphore(%run_scoped3A : memref<!tpu.dma_semaphore, #tpu.memory_space<semaphore_mem>>) src(%arg8 : memref<4096xf32, #tpu.memory_space<vmem>>) dst(%dma_wait3A_57 : memref<4096xf32, #tpu.memory_space<hbm>>)
        tpu.yield
      }) : () -> ()
    }
    %scan3A_13 = arith.constant 52 : i32
    %dma_wait3A = arith.constant 0 : i32
    %dma_wait3A_14 = tpu.memref_slice %arg5[%add3A_6, %dma_wait3A] : memref<2496x4096xf32, #tpu.memory_space<hbm>> -> memref<26x4096xf32, #tpu.memory_space<hbm>>
    %dma_wait3A_15 = arith.constant 0 : i32
    %dma_wait3A_16 = tpu.memref_slice %arg4[%mul3A_2, %dma_wait3A_15] : memref<832x4096xf32, #tpu.memory_space<hbm>> -> memref<26x4096xf32, #tpu.memory_space<hbm>>
    tpu.wait_dma2 semaphore(%arg10 : memref<!tpu.dma_semaphore, #tpu.memory_space<semaphore_mem>>) src(%dma_wait3A_16 : memref<26x4096xf32, #tpu.memory_space<hbm>>) dst(%dma_wait3A_14 : memref<26x4096xf32, #tpu.memory_space<hbm>>)
    return
  }
}

</mosaic_0001>

<sc_bundles>
// kernel: kernel.3.cloned.1.call-start
scs
__scs_entry_jumppad:
0x0: {  	(pc) =	sbr.rel $0x88, $3  }
0x1: {  	(tag) =	ssettag $0x0;
	lr =	simm.s32 $0x1  }
0x2: {  	[smem:$0x3F9E] =	sst lr;
	_ =	strace $0xD0000000  }
0x3: {  	_ = 	snop  }
0x4: {  	_ = 	snop  }
0x5: {  	_ = 	snop  }
0x6: {  	_ = 	snop  }
0x7: {  	_ = 	snop  }
__scs_overlays_trampoline_lowered:
0x8: {  	[smem:$0x3FAD] =	sst s0  }
0x9: {  	[smem:$0x3FAE] =	sst s1  }
0xa: {  	[smem:$0x3FAF] =	sst s2  }
0xb: {  	[smem:$0x3FB0] =	sst s3  }
0xc: {  	[smem:$0x3FB1] =	sst s4  }
0xd: {  	[smem:$0x3FB2] =	sst s5  }
0xe: {  	[smem:$0x3FB3] =	sst s6  }
0xf: {  	[smem:$0x3FB4] =	sst s7  }
0x10: {  	[smem:$0x3FB5] =	sst s8  }
0x11: {  	[smem:$0x3FB6] =	sst s9;
	s0 =	simm.s32 @!p0 $0x0  }
0x12: {  	s1 =	sld [smem:$0x3F9C];
	s0 =	simm.s32 @p0 $0x1  }
0x13: {  	[smem:$0x3FB7] =	sst s0;
	s0 =	simm.s32 @!p1 $0x0  }
0x14: {  	s2 =	sld [smem:$0x3F9B];
	s0 =	simm.s32 @p1 $0x1  }
0x15: {  	[smem:$0x3FB8] =	sst s0;
	s0 =	simm.s32 @!p2 $0x0  }
0x16: {  	s3 =	sld [smem:$0x3FDB];
	s0 =	simm.s32 @p2 $0x1  }
0x17: {  	s4 =	simm.s32 $0x1BF5;
	[smem:$0x3FBA] =	sst s0  }
0x18: {  	s0 =	sld [smem:$0x3F9D];
	_ =	swait.ge [sflag:s4], $0x0  }
0x19: {  	s7 =	sld [smem:$0x3F9E]  }
0x1a: {  	s8 =	sadd.s32 $0xFFFFE003, lr  }
0x1b: {  	s9 =	sadd.s32 $0xFFFFFEF7, lr;
	s5 =	simm.s32 $0xFFFFFFFF;
	p2 =	slt.u32 s8, $0xFFFFF086  }
0x1c: {  	p1 =	slt.u32 s9, $0xF7A;
	s5 =	simm.s32 @!p2 $0x0  }
0x1d: {  	s5 =	simm.s32 @p1 $0x1;
	p0 =	seq.s32 s7, s2  }
0x1e: {  	s7 =	smul.u32 @!p0 $0xF7A, s2;
	p2 =	seq.s32 @!p0 s5, $0x0  }
0x1f: {  	s9 =	smul.u32 $0xF7A, s1;
	s8 =	simm.s32 @!p0 $0x1BF5;
	p2 =	por !p2, p0  }
0x20: {  	[sflag:s8] =	ssyncset.s32 @!p0 $0xFFFFF086;
	s6 =	sadd.s32 @!p0 s3, s7;
	s7 =	simm.s32 @!p0 $0x108  }
0x21: {  	s3 =	sadd.s32 s3, s9;
	s6 =	sadd.s32 @!p0 $0x88, s6;
	s7 =	simm.s32 @p2 $0x1082  }
0x22: {  	[simem:s7], [sflag:s8] =	dma.local @!p0 [hbm:s6], $0xF7A  }
0x23: {  	s9 =	sor.u32 $0xD0000000, s2;
	s6 =	simm.s32 $0x108;
	_ =	swait.ge @!p0 [sflag:s8], $0x0  }
0x24: {  	s3 =	sadd.s32 $0x88, s3;
	s6 =	simm.s32 @!p1 $0x1082;
	[sflag:s4] =	ssyncset.s32 $0xFFFFF086  }
0x25: {  	[simem:s6], [sflag:s4] =	dma.local [hbm:s3], $0xF7A  }
0x26: {  	[smem:$0x3F9E] =	sst s1;
	(tag) =	ssettag s2;
	_ =	strace s9  }
0x27: {  	s1 =	sld [smem:$0x3FAE]  }
0x28: {  	s2 =	sld [smem:$0x3FAF]  }
0x29: {  	s4 =	sld [smem:$0x3FB1]  }
0x2a: {  	p0 =	seq.s32 s5, $0x0;
	s5 =	sld [smem:$0x3FB2]  }
0x2b: {  	s6 =	sld [smem:$0x3FB3]  }
0x2c: {  	s7 =	sld [smem:$0x3FB4]  }
0x2d: {  	s3 =	simm.s32 $0x108;
	s8 =	sld [smem:$0x3FB5]  }
0x2e: {  	s3 =	simm.s32 @!p0 $0x1082;
	s9 =	sld [smem:$0x3FB6]  }
0x2f: {  	lr =	sadd.s32 s0, s3;
	s0 =	sld [smem:$0x3FAD]  }
0x30: {  	s3 =	sld [smem:$0x3FB0]  }
0x31: {  	[smem:$0x3FB9] =	sst s10  }
0x32: {  	s10 =	sld [smem:$0x3FB7];
	_ =	sdelay $0x3  }
0x33: {  	p0 =	seq.s32 s10, $0x1;
	s10 =	sld [smem:$0x3FB9];
	_ =	sdelay $0x3  }
0x34: {  	[smem:$0x3FB9] =	sst s10  }
0x35: {  	s10 =	sld [smem:$0x3FB8];
	_ =	sdelay $0x3  }
0x36: {  	p1 =	seq.s32 s10, $0x1;
	s10 =	sld [smem:$0x3FB9];
	_ =	sdelay $0x3  }
0x37: {  	[smem:$0x3FB9] =	sst s10  }
0x38: {  	s10 =	sld [smem:$0x3FBA]  }
0x39: {  	_ = 	snop;
	(pc) =	sbr.ind lr, $3  }
0x3a: {  	_ = 	snop  }
0x3b: {  	_ = 	snop  }
0x3c: {  	p2 =	seq.s32 s10, $0x1;
	s10 =	sld [smem:$0x3FB9]  }
0x3d: {  	_ =	shalt  }
0x3e: {  	_ =	shalt  }
0x3f: {  	_ =	shalt  }
0x40: {  	_ =	shalt  }
0x41: {  	_ =	shalt  }
0x42: {  	_ =	shalt  }
0x43: {  	_ =	shalt  }
0x44: {  	_ =	shalt  }
0x45: {  	_ =	shalt  }
0x46: {  	_ =	shalt  }
0x47: {  	_ =	shalt  }
0x48: {  	_ =	shalt  }
0x49: {  	_ =	shalt  }
0x4a: {  	_ =	shalt  }
0x4b: {  	_ =	shalt  }
0x4c: {  	_ =	shalt  }
0x4d: {  	_ =	shalt  }
0x4e: {  	_ =	shalt  }
0x4f: {  	_ =	shalt  }
0x50: {  	_ =	shalt  }
0x51: {  	_ =	shalt  }
0x52: {  	_ =	shalt  }
0x53: {  	_ =	shalt  }
0x54: {  	_ =	shalt  }
0x55: {  	_ =	shalt  }
0x56: {  	_ =	shalt  }
0x57: {  	_ =	shalt  }
0x58: {  	_ =	shalt  }
0x59: {  	_ =	shalt  }
0x5a: {  	_ =	shalt  }
0x5b: {  	_ =	shalt  }
0x5c: {  	_ =	shalt  }
0x5d: {  	_ =	shalt  }
0x5e: {  	_ =	shalt  }
0x5f: {  	_ =	shalt  }
0x60: {  	_ =	shalt  }
0x61: {  	_ =	shalt  }
0x62: {  	_ =	shalt  }
0x63: {  	_ =	shalt  }
0x64: {  	_ =	shalt  }
0x65: {  	_ =	shalt  }
0x66: {  	_ =	shalt  }
0x67: {  	_ =	shalt  }
0x68: {  	_ =	shalt  }
0x69: {  	_ =	shalt  }
0x6a: {  	_ =	shalt  }
0x6b: {  	_ =	shalt  }
0x6c: {  	_ =	shalt  }
0x6d: {  	_ =	shalt  }
0x6e: {  	_ =	shalt  }
0x6f: {  	_ =	shalt  }
0x70: {  	_ =	shalt  }
0x71: {  	_ =	shalt  }
0x72: {  	_ =	shalt  }
0x73: {  	_ =	shalt  }
0x74: {  	_ =	shalt  }
0x75: {  	_ =	shalt  }
0x76: {  	_ =	shalt  }
0x77: {  	_ =	shalt  }
0x78: {  	_ =	shalt  }
0x79: {  	_ =	shalt  }
0x7a: {  	_ =	shalt  }
0x7b: {  	_ =	shalt  }
0x7c: {  	_ =	shalt  }
0x7d: {  	_ =	shalt  }
0x7e: {  	_ =	shalt  }
0x7f: {  	_ =	shalt  }
0x80: {  	_ =	shalt  }
0x81: {  	_ =	shalt  }
0x82: {  	_ =	shalt  }
0x83: {  	_ =	shalt  }
0x84: {  	_ =	shalt  }
0x85: {  	_ =	shalt  }
0x86: {  	_ =	shalt  }
0x87: {  	_ =	shalt  }
.Lfunc_end0:
.L_simem_size_0:
called_computation_lowered:
.L_overlay_start_0:
0x88: {  	s2 =	sld [smem:$0x3FD9]  }
0x89: {  	s3 =	sld [smem:$0x3FFE];
	_ =	sdelay $0x1  }
0x8a: {  	s1 =	srdreg.scid  }
0x8b: {  	s0 =	sand.u32 $0x1, s1  }
0x8c: {  	s17 =	sshll.u32 s0, $0xA;
	s2 =	sadd.s32 s3, s2  }
0x8d: {  	s2 =	sadd.s32 s2, s17  }
0x8e: {  	[smem:$0x3FC5] =	sst s2  }
0x8f: {  	_ = 	snop  }
0x90: {  	s2 =	sld [smem:$0x3FD0];
	(tm) =	ssettm $0x1  }
0x91: {  	s18 =	sld [smem:$0x3FFB];
	_ =	sdelay $0x3  }
0x92: {  	_ =	strace s18  }
0x93: {  	s3 =	sld [smem:$0x3FFC];
	_ =	sdelay $0x3  }
0x94: {  	_ =	strace s3  }
0x95: {  	s3 =	sld [smem:$0x3FFD];
	_ =	sdelay $0x3  }
0x96: {  	_ =	strace s3  }
0x97: {  	_ =	strace $0x8FFFFFFF  }
0x98: {  	s19 =	sld [smem:$0x3FDB];
	_ =	sdelay $0x1  }
0x99: {  	s4 =	simm.s32 $_scs_section_size  }
0x9a: {  	s5 =	simm.s32 $_size__tile_overlayer_lowered;
	s6 =	simm.s32 $_tile_overlayer_lowered  }
0x9b: {  	s22 =	simm.s32 $0x1BFF;
	s21 =	sshll.u32 s6, $0x1;
	s3 =	sadd.s32 s4, s19  }
0x9c: {  	s7 =	simm.s32 $0x0;
	s20 =	sshll.u32 s5, $0x1;
	s5 =	sadd.s32 s21, s3  }
0x9d: {  	[timem:s7], [sflag:s22] =	dma.local [hbm:s5], s20  }
0x9e: {  	_ =	swait.ge [sflag:s22], s20  }
0x9f: {  	s4 =	ssub.s32 $0x0, s20;
	[sflag:s22] =	ssyncset.done $0x0  }
0xa0: {  	[sflag:s22] =	ssyncadd.s32 s4;
	_ =	sdelay $0x1  }
0xa1: {  	s23 =	simm.s32 $0x1B8B  }
0xa2: {  	_ =	swait.ge [sflag:s23], $0x1  }
0xa3: {  	[sflag:s23] =	ssyncset.done $0x0  }
0xa4: {  	s25 =	simm.s32 $0x1B8E;
	s24 =	sld [smem:$0x3FFE];
	[sflag:s23] =	ssyncadd.s32 $0xFFFFFFFF  }
0xa5: {  	s26 =	simm.s32 $execute0_lowered;
	[smem:$0x3FD2] =	sst s25  }
0xa6: {  	s5 =	sshll.u32 s26, $0x1;
	_ =	strace $0x80000046;
	[dreg:$0x1] =	wrdreg $0xFFFFFFFF  }
0xa7: {  	s28 =	simm.s32 $_size_execute0_lowered;
	s3 =	sadd.s32 s3, s5;
	[dreg:$0x0] =	wrdreg $0x0  }
0xa8: {  	s5 =	sshll.u32 s28, $0x1;
	[dreg:$0x2] =	wrdreg s3  }
0xa9: {  	[dreg:$0x3] =	wrdreg s5  }
0xaa: {  	[dreg:$0x4] =	wrdreg $0xC0  }
0xab: {  	_ =	task [dreg:s7], $0x5FFFF  }
0xac: {  	[dreg:$0x1] =	wrdreg $0xFFFFFFFF  }
0xad: {  	[dreg:$0x0] =	wrdreg $0x60  }
0xae: {  	[dreg:$0x2] =	wrdreg s24  }
0xaf: {  	[dreg:$0x3] =	wrdreg s2  }
0xb0: {  	[dreg:$0x4] =	wrdreg $0x9  }
0xb1: {  	_ =	task.clear_ibuf [dreg:s7], $0x5FFFF;
	_ =	strace $0x90000046  }
0xb2: {  	s29 =	simm.s32 $0x9;
	_ =	strace $0x80000048  }
0xb3: {  	_ =	swait.ge [sflag:s29], $0x1  }
0xb4: {  	[sflag:s29] =	ssyncadd.s32 $0xFFFFFFFF  }
0xb5: {  	_ =	strace $0x90000048  }
0xb6: {  	_ =	sfence  }
0xb7: {  	s30 =	sld [smem:$0x0];
	_ =	sdelay $0x2  }
0xb8: {  	s31 =	sshll.u32 s1, $0xD;
	s1 =	sshrl.u32 s1, $0x2  }
0xb9: {  	s3 =	sand.u32 $0x4000, s31;
	s1 =	sadd.s32 s1, s30  }
0xba: {  	s0 =	sor.u32 s3, s0;
	s1 =	sshll.u32 s1, $0x11  }
0xbb: {  	s0 =	sor.u32 s1, s0  }
0xbc: {  	s0 =	sadd.s32 $0x8F2B, s0  }
0xbd: {  	[sflag:s0] =	ssyncadd.remote.s32 $0x1  }
0xbe: {  	_ =	sfence.sel $0xFFFF  }
0xbf: {  	[dreg:$0x0] =	wrdreg $0xFFFFFFFF;
	(pc) =	sbr.abs _section_cstart, $3  }
0xc0: {  	[dreg:$0x1] =	wrdreg $0xFFFFFFFF  }
0xc1: {  	_ =	task.clear_ibuf [dreg:s7], $0x2FFFF;
	_ =	strace $0x9FFFFFFF  }
0xc2: {  	(tm) =	ssettm $0x7FFFFFFF  }
0xc3: {  	_ =	shalt  }
tec
execute0_lowered:
.L_overlay_start_1:
0x0: {  	(tag) =	ssettag $0x1  }
0x1: {  	s5 =	rddreg [dreg:$0x0];
	s1 =	srdreg.scid  }
0x2: {  	s0 =	stileid.u32;
	s7 =	rddreg [dreg:$0x1];
	s2 =	simm.s32 $0x0  }
0x3: {  	s12 =	simm.s32 $0x2;
	s13 =	simm.s32 $0x196A0;
	s14 =	simm.s32 $0x1  }
0x4: {  	s15 =	simm.s32 $0x0;
	s6 =	sand.u32 $0x1, s1;
	s1 =	rddreg [dreg:$0x2]  }
0x5: {  	s3 =	sshll.u32 s0, $0x1;
	[smem:$0x7FF] =	sst s2;
	s4 =	sadd.s32 $0x400, s5  }
0x6: {  	s31 =	sshll.u32 s0, $0x6;
	s9 =	sor.u32 s6, s3;
	_ =	strace $0x80000047  }
0x7: {  	s3 =	sadd.s32 $0x3800, s5;
	s6 =	ssub.s32 $0x2, s6;
	s8 =	smul.u32 $0x1A000, s9  }
0x8: {  	s5 =	sadd.s32 $0x13D9A00, s5;
	s10 =	sshrl.u32 s6, $0x1;
	s11 =	smul.u32 $0x3400, s9  }
0x9: {  	s9 =	smul.u32 $0x34, s9;
	s10 =	ssub.s32 s6, s10;
	s8 =	sshrl.u32 s8, $0x3  }
0xa: {  	s7 =	sadd.s32 s7, s11;
	s10 =	smax.u32 s10, $0x1;
	s8 =	sadd.s32 s5, s8  }
0xb: {  	s11 =	simm.s32 $0x186A0;
	s6 =	sadd.s32 $0xD0000, s8;
	s8 =	sor.u32 $0x1C01, s31  }
.LBB2_1:
0xc: {  	[hbm:s6], [sflag:s8] =	dma.local [hbm:s7], $0x3400  }
0xd: {  	s16 =	simm.s32 $0x0  }
.LBB2_2:
0xe: {  	s17 =	sadd.s32 s9, s16  }
0xf: {  	s18 =	sshll.u32 s17, $0x3  }
0x10: {  	s18 =	sand.u32 $0x1FFFFE00, s18  }
0x11: {  	s19 =	simm.s32 $0x0;
	s18 =	sadd.s32 s4, s18  }
0x12: {  	[tilespmem:s11], [sflag:$0x2] =	stream.linear.gather [hbm4b:s18+s19], $0x1000, $0x38;
	[tilespmem:$0x1A6A0] =	vst v63  }
0x13: {  	s31 =	smul.u32 $0x30D4, s17;
	_ =	swait.ge [sflag:s12], $0x1000  }
0x14: {  	[sflag:s12] =	ssyncset.done $0x0  }
0x15: {  	s18 =	sadd.s32 s3, s31;
	[sflag:s12] =	ssyncadd.s32 $0xFFFFF000  }
0x16: {  	[tilespmem:s19], [sflag:$0x2] =	stream.linear.gather [hbm4b:s18+s19], $0x186A0, $0x38;
	[tilespmem:$0x1A6A0] =	vst v63  }
0x17: {  	_ =	swait.ge [sflag:s12], $0x186A0  }
0x18: {  	[sflag:s12] =	ssyncset.done $0x0  }
0x19: {  	s18 =	simm.s32 $0x0;
	[sflag:s12] =	ssyncadd.s32 $0xFFFE7960  }
0x1a: {  	v0 =	vld [tilespmem:s18+$0x186A0];
	_ =	sdelay $0x5  }
0x1b: {  	v1 =	vld [tilespmem:s18+$0x186B0];
	_ =	sdelay $0x1  }
0x1c: {  	v0 =	vld.idx.msk [tilespmem:v0+s2+$0x0], $0xffff;
	_ =	sdelay $0x4  }
0x1d: {  	[tilespmem:s18+$0x196A0] =	vst v0;
	v0 =	vld [tilespmem:s18+$0x186C0]  }
0x1e: {  	v1 =	vld.idx.msk [tilespmem:v1+s2+$0x0], $0xffff;
	_ =	sdelay $0x4  }
0x1f: {  	[tilespmem:s18+$0x196B0] =	vst v1;
	v1 =	vld [tilespmem:s18+$0x186D0];
	_ =	sdelay $0x1  }
0x20: {  	v0 =	vld.idx.msk [tilespmem:v0+s2+$0x0], $0xffff;
	_ =	sdelay $0x4  }
0x21: {  	[tilespmem:s18+$0x196C0] =	vst v0;
	v0 =	vld [tilespmem:s18+$0x186E0]  }
0x22: {  	v1 =	vld.idx.msk [tilespmem:v1+s2+$0x0], $0xffff;
	_ =	sdelay $0x4  }
0x23: {  	[tilespmem:s18+$0x196D0] =	vst v1;
	v1 =	vld [tilespmem:s18+$0x186F0];
	_ =	sdelay $0x1  }
0x24: {  	v0 =	vld.idx.msk [tilespmem:v0+s2+$0x0], $0xffff;
	_ =	sdelay $0x4  }
0x25: {  	v2 =	vld [tilespmem:s18+$0x18700];
	[tilespmem:s18+$0x196E0] =	vst v0  }
0x26: {  	v0 =	vld.idx.msk [tilespmem:v1+s2+$0x0], $0xffff;
	_ =	sdelay $0x4  }
0x27: {  	[tilespmem:s18+$0x196F0] =	vst v0;
	v0 =	vld [tilespmem:s18+$0x18710];
	_ =	sdelay $0x1  }
0x28: {  	v1 =	vld.idx.msk [tilespmem:v2+s2+$0x0], $0xffff;
	_ =	sdelay $0x3  }
0x29: {  	s20 =	simm.s32 $0x80;
	s19 =	simm.s32 $0x400  }
.LBB2_3:
0x2a: {  	p0 =	sne.s32 s19, $0x3E00;
	v2 =	vld [tilespmem:s20+$0x186A0];
	[tilespmem:s18+$0x19700] =	vst v1  }
0x2b: {  	v0 =	vld.idx.msk [tilespmem:v0+s2+$0x0], $0xffff;
	_ =	sdelay $0x5  }
0x2c: {  	v1 =	vld [tilespmem:s20+$0x186B0];
	[tilespmem:s18+$0x19710] =	vst v0;
	s18 =	smov.u32 s20  }
0x2d: {  	v0 =	vld.idx.msk [tilespmem:v2+s2+$0x0], $0xffff;
	_ =	sdelay $0x5  }
0x2e: {  	[tilespmem:s18+$0x196A0] =	vst v0;
	v0 =	vld [tilespmem:s18+$0x186C0]  }
0x2f: {  	v1 =	vld.idx.msk [tilespmem:v1+s2+$0x0], $0xffff;
	_ =	sdelay $0x5  }
0x30: {  	[tilespmem:s18+$0x196B0] =	vst v1;
	v1 =	vld [tilespmem:s18+$0x186D0]  }
0x31: {  	v0 =	vld.idx.msk [tilespmem:v0+s2+$0x0], $0xffff;
	_ =	sdelay $0x5  }
0x32: {  	[tilespmem:s18+$0x196C0] =	vst v0;
	v0 =	vld [tilespmem:s18+$0x186E0]  }
0x33: {  	v1 =	vld.idx.msk [tilespmem:v1+s2+$0x0], $0xffff;
	_ =	sdelay $0x5  }
0x34: {  	[tilespmem:s18+$0x196D0] =	vst v1;
	v1 =	vld [tilespmem:s18+$0x186F0]  }
0x35: {  	v0 =	vld.idx.msk [tilespmem:v0+s2+$0x0], $0xffff;
	_ =	sdelay $0x5  }
0x36: {  	[tilespmem:s18+$0x196E0] =	vst v0;
	v2 =	vld [tilespmem:s18+$0x18700]  }
0x37: {  	v0 =	vld.idx.msk [tilespmem:v1+s2+$0x0], $0xffff;
	_ =	sdelay $0x5  }
0x38: {  	[tilespmem:s18+$0x196F0] =	vst v0;
	v0 =	vld [tilespmem:s18+$0x18710]  }
0x39: {  	v1 =	vld.idx.msk [tilespmem:v2+s2+$0x0], $0xffff  }
.Ltmp0:
0x3a: {  	(pc) =	sbr.rel @p0 .LBB2_3-.Ltmp0, $2  }
0x3b: {  	_ =	sdelay $0x2  }
0x3c: {  	s20 =	sshra.s32 s19, $0x2;
	s19 =	sadd.s32 $0x200, s19  }
0x3d: {  	_ =	sdelay $0x1  }
0x3e: {  	v2 =	vld [tilespmem:s20+$0x186A0]  }
0x3f: {  	[tilespmem:s18+$0x19700] =	vst v1  }
0x40: {  	v0 =	vld.idx.msk [tilespmem:v0+s2+$0x0], $0xffff;
	_ =	sdelay $0x3  }
0x41: {  	v1 =	vld [tilespmem:s20+$0x186B0]  }
0x42: {  	[tilespmem:s18+$0x19710] =	vst v0  }
0x43: {  	v0 =	vld.idx.msk [tilespmem:v2+s2+$0x0], $0xffff;
	_ =	sdelay $0x3  }
0x44: {  	v58 =	vld [tilespmem:s20+$0x186C0]  }
0x45: {  	[tilespmem:s20+$0x196A0] =	vst v0  }
0x46: {  	v1 =	vld.idx.msk [tilespmem:v1+s2+$0x0], $0xffff;
	_ =	sdelay $0x3  }
0x47: {  	v59 =	vld [tilespmem:s20+$0x186D0]  }
0x48: {  	[tilespmem:s20+$0x196B0] =	vst v1  }
0x49: {  	v0 =	vld.idx.msk [tilespmem:v58+s2+$0x0], $0xffff;
	_ =	sdelay $0x3  }
0x4a: {  	v60 =	vld [tilespmem:s20+$0x186E0]  }
0x4b: {  	[tilespmem:s20+$0x196C0] =	vst v0  }
0x4c: {  	v1 =	vld.idx.msk [tilespmem:v59+s2+$0x0], $0xffff;
	_ =	sdelay $0x3  }
0x4d: {  	v61 =	vld [tilespmem:s20+$0x186F0]  }
0x4e: {  	[tilespmem:s20+$0x196D0] =	vst v1  }
0x4f: {  	v0 =	vld.idx.msk [tilespmem:v60+s2+$0x0], $0xffff;
	_ =	sdelay $0x3  }
0x50: {  	v62 =	vld [tilespmem:s20+$0x18700]  }
0x51: {  	[tilespmem:s20+$0x196E0] =	vst v0  }
0x52: {  	v1 =	vld.idx.msk [tilespmem:v61+s2+$0x0], $0xffff;
	_ =	sdelay $0x3  }
0x53: {  	v63 =	vld [tilespmem:s20+$0x18710]  }
0x54: {  	[tilespmem:s20+$0x196F0] =	vst v1  }
0x55: {  	v0 =	vld.idx.msk [tilespmem:v62+s2+$0x0], $0xffff;
	_ =	sdelay $0x4  }
0x56: {  	[tilespmem:s20+$0x19700] =	vst v0  }
0x57: {  	v0 =	vld.idx.msk [tilespmem:v63+s2+$0x0], $0xffff;
	_ =	sdelay $0x2  }
0x58: {  	s16 =	sadd.s32 $0x1, s16  }
0x59: {  	s17 =	sshll.u32 s17, $0x9;
	p0 =	sne.s32 s16, $0x34  }
.Ltmp1:
0x5a: {  	s17 =	sadd.s32 s5, s17;
	[tilespmem:s20+$0x19710] =	vst v0;
	(pc) =	sbr.rel @p0 .LBB2_2-.Ltmp1, $4  }
0x5b: {  	[hbm4b:s17+s2] =	stream.linear.scatter [tilespmem:s13], [sflag:$0x2], $0x1000, $0x38;
	[tilespmem:$0x1A6A0] =	vst v63  }
0x5c: {  	_ =	swait.ge [sflag:s12], $0x1000  }
0x5d: {  	[sflag:s12] =	ssyncset.done $0x0  }
0x5e: {  	[sflag:s12] =	ssyncadd.s32 $0xFFFFF000  }
0x5f: {  	s15 =	sadd.s32 $0x1, s15  }
0x60: {  	p0 =	sne.s32 s15, s10  }
.Ltmp2:
0x61: {  	_ = 	snop;
	(pc) =	sbr.rel @p0 .LBB2_1-.Ltmp2, $4  }
0x62: {  	_ = 	snop  }
0x63: {  	_ =	swait.ge [sflag:s14], $0x3400  }
0x64: {  	[sflag:s14] =	ssyncset.done $0x0  }
0x65: {  	[sflag:s14] =	ssyncadd.s32 $0xFFFFCC00  }
0x66: {  	_ =	sfence.sel $0x180000  }
0x67: {  	[bflag:$0x0] =	sbarrier.arrive $0xFFFF  }
0x68: {  	p0 =	sne.s32 s0, $0x0;
	_ =	strace $0x90000047  }
0x69: {  	s0 =	sadd.s32 @!p0 $0x100000, s1;
	[bflag:$0x2] =	sbarrier.arrive $0xFFFF  }
0x6a: {  	[sflag:s0] =	ssyncadd.tile.s32 @!p0 $0x1;
	_ =	shalt  }
.Lfunc_end2:
_tile_overlayer_lowered:
.L_overlay_start_2:
0x6b: {  	(tag) =	ssettag $0x2  }
0x6c: {  	s0 =	rddreg [dreg:$0x0];
	s2 =	stileid.u32  }
0x6d: {  	s1 =	rddreg [dreg:$0x1];
	p0 =	sne.s32 s2, $0x0  }
0x6e: {  	s3 =	rddreg [dreg:$0x2];
	[bflag:$0x3] =	sbarrier.arrive $0xFFFF;
	s2 =	simm.s32 @!p0 $0x1C02  }
0x6f: {  	[timem:s3], [sflag:s2] =	dma.local @!p0 [hbm:s0], s1  }
0x70: {  	s0 =	simm.s32 @!p0 $0x2  }
0x71: {  	_ =	swait.ge @!p0 [sflag:s0], s1  }
0x72: {  	s1 =	ssub.s32 @!p0 $0x0, s1;
	[sflag:s0] =	ssyncset.done @!p0 $0x0  }
0x73: {  	[sflag:s0] =	ssyncadd.s32 @!p0 s1  }
0x74: {  	[bflag:$0x3] =	sbarrier.arrive $0xFFFF  }
0x75: {  	_ =	shalt  }

</sc_bundles>
